<compile_context>
chip_gen: v7x
topology: tpu7x:2x2x1
jax: 0.10.2.dev20260603
libtpu: 0.0.44.dev20260713+nightly
codegen_flags: <defaults>
</compile_context>

<pallas_src>
import functools

import jax
import jax.numpy as jnp
from jax import lax
from jax.experimental import pallas as pl
from jax.experimental.pallas import tpu as pltpu
from jax.experimental.pallas import tpu_sc as plsc

NUM_IDS = 131072
NUM_BINS = 256
PACKET = 512
NC = 2
NS = 16
LANES = 16
NW = NC * NS
PER_W = NUM_IDS // NW


@functools.lru_cache(maxsize=None)
def _make_sc_hist():
    mesh = plsc.VectorSubcoreMesh(
        core_axis_name="c", subcore_axis_name="s", num_cores=NC, num_subcores=NS
    )

    @functools.partial(
        pl.kernel,
        out_type=jax.ShapeDtypeStruct((NW, NUM_BINS), jnp.float32),
        mesh=mesh,
        scratch_types=[
            pltpu.VMEM((PER_W,), jnp.int32),
            pltpu.VMEM((LANES * NUM_BINS,), jnp.float32),
            pltpu.VMEM((NUM_BINS,), jnp.float32),
            pltpu.SemaphoreType.DMA,
        ],
        compiler_params=pltpu.CompilerParams(needs_layout_passes=False),
    )
    def _sc_hist(ids_hbm, out_hbm, ids_v, hist_v, counts_v, sem):
        wid = lax.axis_index("s") * NC + lax.axis_index("c")
        ids_dma = pltpu.async_copy(ids_hbm.at[pl.ds(wid * PER_W, PER_W)], ids_v, sem)

        zeros16 = jnp.zeros((LANES,), jnp.float32)

        @plsc.parallel_loop(0, LANES * NUM_BINS, LANES, unroll=8)
        def _zero(j):
            hist_v[pl.ds(j, LANES)] = zeros16

        ids_dma.wait()

        lane_off = lax.iota(jnp.int32, LANES) * NUM_BINS
        ones = jnp.ones((LANES,), jnp.float32)

        @plsc.parallel_loop(0, PER_W, LANES, unroll=8)
        def _scatter(i):
            v = ids_v[pl.ds(i, LANES)]
            plsc.addupdate_scatter(hist_v, [lane_off + v], ones)

        @plsc.parallel_loop(0, NUM_BINS, LANES, unroll=4)
        def _lane_reduce(c):
            acc = hist_v[pl.ds(c, LANES)]
            for l in range(1, LANES):
                acc = acc + hist_v[pl.ds(l * NUM_BINS + c, LANES)]
            counts_v[pl.ds(c, LANES)] = acc

        pltpu.sync_copy(counts_v, out_hbm.at[wid])

    return _sc_hist


def _tc_body(hist_ref, table_ref, out_ref):
    counts = jnp.sum(hist_ref[...], axis=0).reshape(1, NUM_BINS)
    sentence = jnp.dot(
        counts, table_ref[...], preferred_element_type=jnp.float32
    ) * (1.0 / NUM_IDS)
    x = sentence
    width = PACKET
    while width > 4:
        half = width // 2
        x = jnp.tanh(x[:, :half] + x[:, half:width])
        width = half
    out_ref[...] = x


_tc_fold = pl.pallas_call(
    _tc_body,
    out_shape=jax.ShapeDtypeStruct((1, 4), jnp.float32),
)


def kernel(ids, char_embed):
    ids = ids.astype(jnp.int32)
    hist = _make_sc_hist()(ids)
    return _tc_fold(hist, char_embed)

# --- scband reference (transcript-rebuilt; emitter-appended) ---
"""Pipeline reference for scband-fractal-encoder-47193100648817 (READ-ONLY COPY).

The authoritative reference and input builder live on the scoring server;
editing this copy changes nothing except your own understanding.
"""

import jax, jax.numpy as jnp
import numpy as np

N_QUBITS = 4
PACKET_SIZE = 512

def setup_inputs(seed: int = 0) -> dict:
    key = jax.random.key(seed)
    k1, k2 = jax.random.split(key)
    ids = jax.random.randint(k1, (131072,), 0, 256, dtype=jnp.int64)
    char_embed = jax.random.normal(k2, (256, PACKET_SIZE), dtype=jnp.float32)
    return {"ids": ids, "char_embed": char_embed}

def _fold(x):
    # Recursive fractal fold: halve last dim with tanh(left+right) until <= N_QUBITS
    while x.shape[-1] > N_QUBITS:
        half = x.shape[-1] // 2
        left = x[:, :half]
        right = x[:, half:2 * half]
        x = jnp.tanh(left + right)
    return x[:, :N_QUBITS]

def reference(ids, char_embed):
    # embedding lookup (gather)
    vectors = jnp.take(char_embed, ids, axis=0)  # [L, 512]
    sentence_vec = jnp.mean(vectors, axis=0, keepdims=True)  # [1, 512]
    packet = _fold(sentence_vec)  # [1, 4]
    return packet

if __name__ == "__main__":
    import jax
    _d = setup_inputs()
    print(jax.jit(kernel)(*tuple(_d.values())))

</pallas_src>

<mosaic_0001>
#map = affine_map<(d0, d1) -> (0)>
#map1 = affine_map<(d0, d1) -> (0, 0)>
module attributes {stable_mosaic.version = 14 : i64} {
  func.func @_sc_hist(%arg0: i32, %arg1: i32, %arg2: memref<131072xi32, #tpu.memory_space<hbm>>, %arg3: memref<32x256xf32, #tpu.memory_space<hbm>>, %arg4: memref<4096xi32, #tpu.memory_space<vmem>>, %arg5: memref<4096xf32, #tpu.memory_space<vmem>>, %arg6: memref<256xf32, #tpu.memory_space<vmem>>, %arg7: memref<!tpu.dma_semaphore, #tpu.memory_space<semaphore_mem>>) attributes {dimension_semantics = [#tpu.dimension_semantics<core_parallel>, #tpu.dimension_semantics<subcore_parallel>], iteration_bounds = array<i64: 2, 16>, scalar_prefetch = 0 : i64, scratch_operands = 4 : i64, tpu.core_type = #tpu.core_type<sc_vector_subcore>, window_params = [{transform_indices = #map}, {transform_indices = #map1}]} {
    %mul3A = arith.constant 2 : i32
    %mul3A_0 = arith.muli %arg1, %mul3A : i32
    %add3A = arith.addi %mul3A_0, %arg0 : i32
    %mul3A_1 = arith.constant 4096 : i32
    %mul3A_2 = arith.muli %add3A, %mul3A_1 : i32
    %dma_start3A = tpu.memref_slice %arg2[%mul3A_2] : memref<131072xi32, #tpu.memory_space<hbm>> -> memref<4096xi32, #tpu.memory_space<hbm>>
    %dma_start3A_3 = tpu.memref_slice %arg2[%mul3A_2] : memref<131072xi32, #tpu.memory_space<hbm>> -> memref<4096xi32, #tpu.memory_space<hbm>>
    tpu.enqueue_dma source(%dma_start3A_3 : memref<4096xi32, #tpu.memory_space<hbm>>) target(%arg4 : memref<4096xi32, #tpu.memory_space<vmem>>) target_semaphore(%arg7 : memref<!tpu.dma_semaphore, #tpu.memory_space<semaphore_mem>>)
    %broadcast_in_dim3A = arith.constant 0.000000e+00 : f32
    %broadcast_in_dim3A_4 = vector.broadcast %broadcast_in_dim3A : f32 to vector<16xf32>
    %parallel_loop3A = arith.constant 0 : i32
    %parallel_loop3A_5 = arith.constant 4096 : i32
    %parallel_loop3A_6 = arith.constant 16 : i32
    scf.for %parallel_loop3A_19 = %parallel_loop3A to %parallel_loop3A_5 step %parallel_loop3A_6  : i32 {
      %parallel_loop3A_20 = arith.index_cast %parallel_loop3A_19 : i32 to index
      %parallel_loop3A_21 = tpu.vector_load %arg5[%parallel_loop3A_20] {strides = array<i32>} : memref<4096xf32, #tpu.memory_space<vmem>>, vector<16xf32>,
      tpu.vector_store %arg5[%parallel_loop3A_20], %broadcast_in_dim3A_4 {strides = array<i32>} : memref<4096xf32, #tpu.memory_space<vmem>>, vector<16xf32>,
    } {sc.loop_unroll_factor = 8 : i64, sc.parallel_access}
    %dma_wait3A = tpu.memref_slice %arg2[%mul3A_2] : memref<131072xi32, #tpu.memory_space<hbm>> -> memref<4096xi32, #tpu.memory_space<hbm>>
    %dma_wait3A_7 = tpu.memref_slice %arg2[%mul3A_2] : memref<131072xi32, #tpu.memory_space<hbm>> -> memref<4096xi32, #tpu.memory_space<hbm>>
    tpu.wait_dma2 semaphore(%arg7 : memref<!tpu.dma_semaphore, #tpu.memory_space<semaphore_mem>>) src(%dma_wait3A_7 : memref<4096xi32, #tpu.memory_space<hbm>>) dst(%arg4 : memref<4096xi32, #tpu.memory_space<vmem>>)
    %iota3A = tpu.iota {dimensions = array<i32: 0>} : vector<16xi32>
    %mul3A_8 = arith.constant 256 : i32
    %mul3A_9 = vector.broadcast %mul3A_8 : i32 to vector<16xi32>
    %mul3A_10 = arith.muli %iota3A, %mul3A_9 : vector<16xi32>
    %broadcast_in_dim3A_11 = arith.constant 1.000000e+00 : f32
    %broadcast_in_dim3A_12 = vector.broadcast %broadcast_in_dim3A_11 : f32 to vector<16xf32>
    %parallel_loop3A_13 = arith.constant 0 : i32
    %parallel_loop3A_14 = arith.constant 4096 : i32
    %parallel_loop3A_15 = arith.constant 16 : i32
    scf.for %parallel_loop3A_19 = %parallel_loop3A_13 to %parallel_loop3A_14 step %parallel_loop3A_15  : i32 {
      %parallel_loop3A_20 = arith.index_cast %parallel_loop3A_19 : i32 to index
      %parallel_loop3A_21 = tpu.vector_load %arg4[%parallel_loop3A_20] {strides = array<i32>} : memref<4096xi32, #tpu.memory_space<vmem>>, vector<16xi32>,
      %parallel_loop3A_22 = arith.addi %mul3A_10, %parallel_loop3A_21 : vector<16xi32>
      tpu.vector_store_idx %arg5[%parallel_loop3A_22], %broadcast_in_dim3A_12 {add = true} : memref<4096xf32, #tpu.memory_space<vmem>>[vector<16xi32>], vector<16xf32>,
    } {sc.loop_unroll_factor = 8 : i64, sc.parallel_access}
    %parallel_loop3A_16 = arith.constant 0 : i32
    %parallel_loop3A_17 = arith.constant 256 : i32
    %parallel_loop3A_18 = arith.constant 16 : i32
    scf.for %parallel_loop3A_19 = %parallel_loop3A_16 to %parallel_loop3A_17 step %parallel_loop3A_18  : i32 {
      %parallel_loop3A_20 = arith.index_cast %parallel_loop3A_19 : i32 to index
      %parallel_loop3A_21 = tpu.vector_load %arg5[%parallel_loop3A_20] {strides = array<i32>} : memref<4096xf32, #tpu.memory_space<vmem>>, vector<16xf32>,
      %parallel_loop3A_22 = arith.constant 256 : i32
      %parallel_loop3A_23 = arith.addi %parallel_loop3A_22, %parallel_loop3A_19 : i32
      %parallel_loop3A_24 = arith.index_cast %parallel_loop3A_23 : i32 to index
      %parallel_loop3A_25 = tpu.vector_load %arg5[%parallel_loop3A_24] {strides = array<i32>} : memref<4096xf32, #tpu.memory_space<vmem>>, vector<16xf32>,
      %parallel_loop3A_26 = arith.addf %parallel_loop3A_21, %parallel_loop3A_25 : vector<16xf32>
      %parallel_loop3A_27 = arith.constant 512 : i32
      %parallel_loop3A_28 = arith.addi %parallel_loop3A_27, %parallel_loop3A_19 : i32
      %parallel_loop3A_29 = arith.index_cast %parallel_loop3A_28 : i32 to index
      %parallel_loop3A_30 = tpu.vector_load %arg5[%parallel_loop3A_29] {strides = array<i32>} : memref<4096xf32, #tpu.memory_space<vmem>>, vector<16xf32>,
      %parallel_loop3A_31 = arith.addf %parallel_loop3A_26, %parallel_loop3A_30 : vector<16xf32>
      %parallel_loop3A_32 = arith.constant 768 : i32
      %parallel_loop3A_33 = arith.addi %parallel_loop3A_32, %parallel_loop3A_19 : i32
      %parallel_loop3A_34 = arith.index_cast %parallel_loop3A_33 : i32 to index
      %parallel_loop3A_35 = tpu.vector_load %arg5[%parallel_loop3A_34] {strides = array<i32>} : memref<4096xf32, #tpu.memory_space<vmem>>, vector<16xf32>,
      %parallel_loop3A_36 = arith.addf %parallel_loop3A_31, %parallel_loop3A_35 : vector<16xf32>
      %parallel_loop3A_37 = arith.constant 1024 : i32
      %parallel_loop3A_38 = arith.addi %parallel_loop3A_37, %parallel_loop3A_19 : i32
      %parallel_loop3A_39 = arith.index_cast %parallel_loop3A_38 : i32 to index
      %parallel_loop3A_40 = tpu.vector_load %arg5[%parallel_loop3A_39] {strides = array<i32>} : memref<4096xf32, #tpu.memory_space<vmem>>, vector<16xf32>,
      %parallel_loop3A_41 = arith.addf %parallel_loop3A_36, %parallel_loop3A_40 : vector<16xf32>
      %parallel_loop3A_42 = arith.constant 1280 : i32
      %parallel_loop3A_43 = arith.addi %parallel_loop3A_42, %parallel_loop3A_19 : i32
      %parallel_loop3A_44 = arith.index_cast %parallel_loop3A_43 : i32 to index
      %parallel_loop3A_45 = tpu.vector_load %arg5[%parallel_loop3A_44] {strides = array<i32>} : memref<4096xf32, #tpu.memory_space<vmem>>, vector<16xf32>,
      %parallel_loop3A_46 = arith.addf %parallel_loop3A_41, %parallel_loop3A_45 : vector<16xf32>
      %parallel_loop3A_47 = arith.constant 1536 : i32
      %parallel_loop3A_48 = arith.addi %parallel_loop3A_47, %parallel_loop3A_19 : i32
      %parallel_loop3A_49 = arith.index_cast %parallel_loop3A_48 : i32 to index
      %parallel_loop3A_50 = tpu.vector_load %arg5[%parallel_loop3A_49] {strides = array<i32>} : memref<4096xf32, #tpu.memory_space<vmem>>, vector<16xf32>,
      %parallel_loop3A_51 = arith.addf %parallel_loop3A_46, %parallel_loop3A_50 : vector<16xf32>
      %parallel_loop3A_52 = arith.constant 1792 : i32
      %parallel_loop3A_53 = arith.addi %parallel_loop3A_52, %parallel_loop3A_19 : i32
      %parallel_loop3A_54 = arith.index_cast %parallel_loop3A_53 : i32 to index
      %parallel_loop3A_55 = tpu.vector_load %arg5[%parallel_loop3A_54] {strides = array<i32>} : memref<4096xf32, #tpu.memory_space<vmem>>, vector<16xf32>,
      %parallel_loop3A_56 = arith.addf %parallel_loop3A_51, %parallel_loop3A_55 : vector<16xf32>
      %parallel_loop3A_57 = arith.constant 2048 : i32
      %parallel_loop3A_58 = arith.addi %parallel_loop3A_57, %parallel_loop3A_19 : i32
      %parallel_loop3A_59 = arith.index_cast %parallel_loop3A_58 : i32 to index
      %parallel_loop3A_60 = tpu.vector_load %arg5[%parallel_loop3A_59] {strides = array<i32>} : memref<4096xf32, #tpu.memory_space<vmem>>, vector<16xf32>,
      %parallel_loop3A_61 = arith.addf %parallel_loop3A_56, %parallel_loop3A_60 : vector<16xf32>
      %parallel_loop3A_62 = arith.constant 2304 : i32
      %parallel_loop3A_63 = arith.addi %parallel_loop3A_62, %parallel_loop3A_19 : i32
      %parallel_loop3A_64 = arith.index_cast %parallel_loop3A_63 : i32 to index
      %parallel_loop3A_65 = tpu.vector_load %arg5[%parallel_loop3A_64] {strides = array<i32>} : memref<4096xf32, #tpu.memory_space<vmem>>, vector<16xf32>,
      %parallel_loop3A_66 = arith.addf %parallel_loop3A_61, %parallel_loop3A_65 : vector<16xf32>
      %parallel_loop3A_67 = arith.constant 2560 : i32
      %parallel_loop3A_68 = arith.addi %parallel_loop3A_67, %parallel_loop3A_19 : i32
      %parallel_loop3A_69 = arith.index_cast %parallel_loop3A_68 : i32 to index
      %parallel_loop3A_70 = tpu.vector_load %arg5[%parallel_loop3A_69] {strides = array<i32>} : memref<4096xf32, #tpu.memory_space<vmem>>, vector<16xf32>,
      %parallel_loop3A_71 = arith.addf %parallel_loop3A_66, %parallel_loop3A_70 : vector<16xf32>
      %parallel_loop3A_72 = arith.constant 2816 : i32
      %parallel_loop3A_73 = arith.addi %parallel_loop3A_72, %parallel_loop3A_19 : i32
      %parallel_loop3A_74 = arith.index_cast %parallel_loop3A_73 : i32 to index
      %parallel_loop3A_75 = tpu.vector_load %arg5[%parallel_loop3A_74] {strides = array<i32>} : memref<4096xf32, #tpu.memory_space<vmem>>, vector<16xf32>,
      %parallel_loop3A_76 = arith.addf %parallel_loop3A_71, %parallel_loop3A_75 : vector<16xf32>
      %parallel_loop3A_77 = arith.constant 3072 : i32
      %parallel_loop3A_78 = arith.addi %parallel_loop3A_77, %parallel_loop3A_19 : i32
      %parallel_loop3A_79 = arith.index_cast %parallel_loop3A_78 : i32 to index
      %parallel_loop3A_80 = tpu.vector_load %arg5[%parallel_loop3A_79] {strides = array<i32>} : memref<4096xf32, #tpu.memory_space<vmem>>, vector<16xf32>,
      %parallel_loop3A_81 = arith.addf %parallel_loop3A_76, %parallel_loop3A_80 : vector<16xf32>
      %parallel_loop3A_82 = arith.constant 3328 : i32
      %parallel_loop3A_83 = arith.addi %parallel_loop3A_82, %parallel_loop3A_19 : i32
      %parallel_loop3A_84 = arith.index_cast %parallel_loop3A_83 : i32 to index
      %parallel_loop3A_85 = tpu.vector_load %arg5[%parallel_loop3A_84] {strides = array<i32>} : memref<4096xf32, #tpu.memory_space<vmem>>, vector<16xf32>,
      %parallel_loop3A_86 = arith.addf %parallel_loop3A_81, %parallel_loop3A_85 : vector<16xf32>
      %parallel_loop3A_87 = arith.constant 3584 : i32
      %parallel_loop3A_88 = arith.addi %parallel_loop3A_87, %parallel_loop3A_19 : i32
      %parallel_loop3A_89 = arith.index_cast %parallel_loop3A_88 : i32 to index
      %parallel_loop3A_90 = tpu.vector_load %arg5[%parallel_loop3A_89] {strides = array<i32>} : memref<4096xf32, #tpu.memory_space<vmem>>, vector<16xf32>,
      %parallel_loop3A_91 = arith.addf %parallel_loop3A_86, %parallel_loop3A_90 : vector<16xf32>
      %parallel_loop3A_92 = arith.constant 3840 : i32
      %parallel_loop3A_93 = arith.addi %parallel_loop3A_92, %parallel_loop3A_19 : i32
      %parallel_loop3A_94 = arith.index_cast %parallel_loop3A_93 : i32 to index
      %parallel_loop3A_95 = tpu.vector_load %arg5[%parallel_loop3A_94] {strides = array<i32>} : memref<4096xf32, #tpu.memory_space<vmem>>, vector<16xf32>,
      %parallel_loop3A_96 = arith.addf %parallel_loop3A_91, %parallel_loop3A_95 : vector<16xf32>
      %parallel_loop3A_97 = arith.index_cast %parallel_loop3A_19 : i32 to index
      %parallel_loop3A_98 = tpu.vector_load %arg6[%parallel_loop3A_97] {strides = array<i32>} : memref<256xf32, #tpu.memory_space<vmem>>, vector<16xf32>,
      tpu.vector_store %arg6[%parallel_loop3A_97], %parallel_loop3A_96 {strides = array<i32>} : memref<256xf32, #tpu.memory_space<vmem>>, vector<16xf32>,
    } {sc.loop_unroll_factor = 4 : i64, sc.parallel_access}
    "tpu.region"() ({
      %run_scoped3A = tpu.sem_alloc : memref<!tpu.dma_semaphore, #tpu.memory_space<semaphore_mem>>
      %dma_start3A_19 = arith.constant 0 : i32
      %dma_start3A_20 = tpu.memref_slice %arg3[%add3A, %dma_start3A_19] : memref<32x256xf32, #tpu.memory_space<hbm>> -> memref<1x256xf32, #tpu.memory_space<hbm>>
      %dma_start3A_21 = tpu.memref_squeeze %dma_start3A_20 : memref<1x256xf32, #tpu.memory_space<hbm>> -> memref<256xf32, #tpu.memory_space<hbm>>
      %dma_start3A_22 = arith.constant 0 : i32
      %dma_start3A_23 = tpu.memref_slice %arg3[%add3A, %dma_start3A_22] : memref<32x256xf32, #tpu.memory_space<hbm>> -> memref<1x256xf32, #tpu.memory_space<hbm>>
      %dma_start3A_24 = tpu.memref_squeeze %dma_start3A_23 : memref<1x256xf32, #tpu.memory_space<hbm>> -> memref<256xf32, #tpu.memory_space<hbm>>
      tpu.enqueue_dma source(%arg6 : memref<256xf32, #tpu.memory_space<vmem>>) target(%dma_start3A_24 : memref<256xf32, #tpu.memory_space<hbm>>) target_semaphore(%run_scoped3A : memref<!tpu.dma_semaphore, #tpu.memory_space<semaphore_mem>>)
      %dma_wait3A_25 = arith.constant 0 : i32
      %dma_wait3A_26 = tpu.memref_slice %arg3[%add3A, %dma_wait3A_25] : memref<32x256xf32, #tpu.memory_space<hbm>> -> memref<1x256xf32, #tpu.memory_space<hbm>>
      %dma_wait3A_27 = tpu.memref_squeeze %dma_wait3A_26 : memref<1x256xf32, #tpu.memory_space<hbm>> -> memref<256xf32, #tpu.memory_space<hbm>>
      %dma_wait3A_28 = arith.constant 0 : i32
      %dma_wait3A_29 = tpu.memref_slice %arg3[%add3A, %dma_wait3A_28] : memref<32x256xf32, #tpu.memory_space<hbm>> -> memref<1x256xf32, #tpu.memory_space<hbm>>
      %dma_wait3A_30 = tpu.memref_squeeze %dma_wait3A_29 : memref<1x256xf32, #tpu.memory_space<hbm>> -> memref<256xf32, #tpu.memory_space<hbm>>
      tpu.wait_dma2 semaphore(%run_scoped3A : memref<!tpu.dma_semaphore, #tpu.memory_space<semaphore_mem>>) src(%arg6 : memref<256xf32, #tpu.memory_space<vmem>>) dst(%dma_wait3A_30 : memref<256xf32, #tpu.memory_space<hbm>>)
      tpu.yield
    }) : () -> ()
    return
  }
}

module attributes {stable_mosaic.version = 14 : i64} {
  func.func @_tc_body(%arg0: memref<32x256xf32, #tpu.memory_space<vmem>>, %arg1: memref<256x512xf32, #tpu.memory_space<vmem>>, %arg2: memref<1x4xf32, #tpu.memory_space<vmem>>) attributes {dimension_semantics = [], scalar_prefetch = 0 : i64, scratch_operands = 0 : i64, tpu.core_type = #tpu.core_type<tc>} {
    %get3A = arith.constant 0 : index
    %get3A_0 = arith.constant 0 : index
    %get3A_1 = vector.load %arg0[%get3A, %get3A_0] : memref<32x256xf32, #tpu.memory_space<vmem>>, vector<32x256xf32>
    %reduce_sum3A = arith.constant dense<0.000000e+00> : vector<256xf32>
    %reduce_sum3A_2 = vector.multi_reduction <add>, %get3A_1, %reduce_sum3A [0] : vector<32x256xf32> to vector<256xf32>
    %reshape3A = vector.shape_cast %reduce_sum3A_2 : vector<256xf32> to vector<1x256xf32>
    %get3A_3 = arith.constant 0 : index
    %get3A_4 = arith.constant 0 : index
    %get3A_5 = vector.load %arg1[%get3A_3, %get3A_4] : memref<256x512xf32, #tpu.memory_space<vmem>>, vector<256x512xf32>
    %dot_general3A = arith.constant dense<0.000000e+00> : vector<1x512xf32>
    %dot_general3A_6 = tpu.matmul %reshape3A, %get3A_5, %dot_general3A {dimension_numbers = #tpu.dot_dimension_numbers<[1], [0], [0], [1], [0, 0, 1, 1], [], []>, transpose_lhs_hint = false} : vector<1x256xf32>, vector<256x512xf32>, vector<1x512xf32> -> vector<1x512xf32>
    %mul3A = arith.constant 7.62939453E-6 : f32
    %mul3A_7 = vector.broadcast %mul3A : f32 to vector<1x512xf32>
    %mul3A_8 = arith.mulf %dot_general3A_6, %mul3A_7 : vector<1x512xf32>
    %slice3A = vector.extract_strided_slice %mul3A_8 {offsets = [0, 0], sizes = [1, 256], strides = [1, 1]} : vector<1x512xf32> to vector<1x256xf32>
    %slice3A_9 = vector.extract_strided_slice %mul3A_8 {offsets = [0, 256], sizes = [1, 256], strides = [1, 1]} : vector<1x512xf32> to vector<1x256xf32>
    %add3A = arith.addf %slice3A, %slice3A_9 : vector<1x256xf32>
    %tanh3A = math.tanh %add3A : vector<1x256xf32>
    %slice3A_10 = vector.extract_strided_slice %tanh3A {offsets = [0, 0], sizes = [1, 128], strides = [1, 1]} : vector<1x256xf32> to vector<1x128xf32>
    %slice3A_11 = vector.extract_strided_slice %tanh3A {offsets = [0, 128], sizes = [1, 128], strides = [1, 1]} : vector<1x256xf32> to vector<1x128xf32>
    %add3A_12 = arith.addf %slice3A_10, %slice3A_11 : vector<1x128xf32>
    %tanh3A_13 = math.tanh %add3A_12 : vector<1x128xf32>
    %slice3A_14 = vector.extract_strided_slice %tanh3A_13 {offsets = [0, 0], sizes = [1, 64], strides = [1, 1]} : vector<1x128xf32> to vector<1x64xf32>
    %slice3A_15 = vector.extract_strided_slice %tanh3A_13 {offsets = [0, 64], sizes = [1, 64], strides = [1, 1]} : vector<1x128xf32> to vector<1x64xf32>
    %add3A_16 = arith.addf %slice3A_14, %slice3A_15 : vector<1x64xf32>
    %tanh3A_17 = math.tanh %add3A_16 : vector<1x64xf32>
    %slice3A_18 = vector.extract_strided_slice %tanh3A_17 {offsets = [0, 0], sizes = [1, 32], strides = [1, 1]} : vector<1x64xf32> to vector<1x32xf32>
    %slice3A_19 = vector.extract_strided_slice %tanh3A_17 {offsets = [0, 32], sizes = [1, 32], strides = [1, 1]} : vector<1x64xf32> to vector<1x32xf32>
    %add3A_20 = arith.addf %slice3A_18, %slice3A_19 : vector<1x32xf32>
    %tanh3A_21 = math.tanh %add3A_20 : vector<1x32xf32>
    %slice3A_22 = vector.extract_strided_slice %tanh3A_21 {offsets = [0, 0], sizes = [1, 16], strides = [1, 1]} : vector<1x32xf32> to vector<1x16xf32>
    %slice3A_23 = vector.extract_strided_slice %tanh3A_21 {offsets = [0, 16], sizes = [1, 16], strides = [1, 1]} : vector<1x32xf32> to vector<1x16xf32>
    %add3A_24 = arith.addf %slice3A_22, %slice3A_23 : vector<1x16xf32>
    %tanh3A_25 = math.tanh %add3A_24 : vector<1x16xf32>
    %slice3A_26 = vector.extract_strided_slice %tanh3A_25 {offsets = [0, 0], sizes = [1, 8], strides = [1, 1]} : vector<1x16xf32> to vector<1x8xf32>
    %slice3A_27 = vector.extract_strided_slice %tanh3A_25 {offsets = [0, 8], sizes = [1, 8], strides = [1, 1]} : vector<1x16xf32> to vector<1x8xf32>
    %add3A_28 = arith.addf %slice3A_26, %slice3A_27 : vector<1x8xf32>
    %tanh3A_29 = math.tanh %add3A_28 : vector<1x8xf32>
    %slice3A_30 = vector.extract_strided_slice %tanh3A_29 {offsets = [0, 0], sizes = [1, 4], strides = [1, 1]} : vector<1x8xf32> to vector<1x4xf32>
    %slice3A_31 = vector.extract_strided_slice %tanh3A_29 {offsets = [0, 4], sizes = [1, 4], strides = [1, 1]} : vector<1x8xf32> to vector<1x4xf32>
    %add3A_32 = arith.addf %slice3A_30, %slice3A_31 : vector<1x4xf32>
    %tanh3A_33 = math.tanh %add3A_32 : vector<1x4xf32>
    %swap3A = arith.constant 0 : index
    %swap3A_34 = arith.constant 0 : index
    %swap3A_35 = vector.load %arg2[%swap3A, %swap3A_34] : memref<1x4xf32, #tpu.memory_space<vmem>>, vector<1x4xf32>
    tpu.vector_store %arg2[%swap3A, %swap3A_34], %tanh3A_33 {strides = array<i32>} : memref<1x4xf32, #tpu.memory_space<vmem>>, vector<1x4xf32>,
    return
  }
}

</mosaic_0001>

<sc_bundles>
// kernel: kernel.4.cloned.1.call-start
scs
__scs_entry_jumppad:
0x0: {  	(pc) =	sbr.rel $0x88, $3  }
0x1: {  	(tag) =	ssettag $0x0;
	lr =	simm.s32 $0x1  }
0x2: {  	[smem:$0x3F9F] =	sst lr;
	_ =	strace $0xD0000000  }
0x3: {  	_ = 	snop  }
0x4: {  	_ = 	snop  }
0x5: {  	_ = 	snop  }
0x6: {  	_ = 	snop  }
0x7: {  	_ = 	snop  }
__scs_overlays_trampoline_lowered:
0x8: {  	[smem:$0x3FAE] =	sst s0  }
0x9: {  	[smem:$0x3FAF] =	sst s1  }
0xa: {  	[smem:$0x3FB0] =	sst s2  }
0xb: {  	[smem:$0x3FB1] =	sst s3  }
0xc: {  	[smem:$0x3FB2] =	sst s4  }
0xd: {  	[smem:$0x3FB3] =	sst s5  }
0xe: {  	[smem:$0x3FB4] =	sst s6  }
0xf: {  	[smem:$0x3FB5] =	sst s7  }
0x10: {  	[smem:$0x3FB6] =	sst s8  }
0x11: {  	[smem:$0x3FB7] =	sst s9;
	s0 =	simm.s32 @!p0 $0x0  }
0x12: {  	s1 =	sld [smem:$0x3F9D];
	s0 =	simm.s32 @p0 $0x1  }
0x13: {  	[smem:$0x3FB8] =	sst s0;
	s0 =	simm.s32 @!p1 $0x0  }
0x14: {  	s2 =	sld [smem:$0x3F9C];
	s0 =	simm.s32 @p1 $0x1  }
0x15: {  	[smem:$0x3FB9] =	sst s0;
	s0 =	simm.s32 @!p2 $0x0  }
0x16: {  	s3 =	sld [smem:$0x3FDB];
	s0 =	simm.s32 @p2 $0x1  }
0x17: {  	s4 =	simm.s32 $0x1BF5;
	[smem:$0x3FBB] =	sst s0  }
0x18: {  	s0 =	sld [smem:$0x3F9E];
	_ =	swait.ge [sflag:s4], $0x0  }
0x19: {  	s7 =	sld [smem:$0x3F9F]  }
0x1a: {  	s8 =	sadd.s32 $0xFFFFE003, lr  }
0x1b: {  	s9 =	sadd.s32 $0xFFFFFEF7, lr;
	s5 =	simm.s32 $0xFFFFFFFF;
	p2 =	slt.u32 s8, $0xFFFFF086  }
0x1c: {  	p1 =	slt.u32 s9, $0xF7A;
	s5 =	simm.s32 @!p2 $0x0  }
0x1d: {  	s5 =	simm.s32 @p1 $0x1;
	p0 =	seq.s32 s7, s2  }
0x1e: {  	s7 =	smul.u32 @!p0 $0xF7A, s2;
	p2 =	seq.s32 @!p0 s5, $0x0  }
0x1f: {  	s9 =	smul.u32 $0xF7A, s1;
	s8 =	simm.s32 @!p0 $0x1BF5;
	p2 =	por !p2, p0  }
0x20: {  	[sflag:s8] =	ssyncset.s32 @!p0 $0xFFFFF086;
	s6 =	sadd.s32 @!p0 s3, s7;
	s7 =	simm.s32 @!p0 $0x108  }
0x21: {  	s3 =	sadd.s32 s3, s9;
	s6 =	sadd.s32 @!p0 $0x88, s6;
	s7 =	simm.s32 @p2 $0x1082  }
0x22: {  	[simem:s7], [sflag:s8] =	dma.local @!p0 [hbm:s6], $0xF7A  }
0x23: {  	s9 =	sor.u32 $0xD0000000, s2;
	s6 =	simm.s32 $0x108;
	_ =	swait.ge @!p0 [sflag:s8], $0x0  }
0x24: {  	s3 =	sadd.s32 $0x88, s3;
	s6 =	simm.s32 @!p1 $0x1082;
	[sflag:s4] =	ssyncset.s32 $0xFFFFF086  }
0x25: {  	[simem:s6], [sflag:s4] =	dma.local [hbm:s3], $0xF7A  }
0x26: {  	[smem:$0x3F9F] =	sst s1;
	(tag) =	ssettag s2;
	_ =	strace s9  }
0x27: {  	s1 =	sld [smem:$0x3FAF]  }
0x28: {  	s2 =	sld [smem:$0x3FB0]  }
0x29: {  	s4 =	sld [smem:$0x3FB2]  }
0x2a: {  	p0 =	seq.s32 s5, $0x0;
	s5 =	sld [smem:$0x3FB3]  }
0x2b: {  	s6 =	sld [smem:$0x3FB4]  }
0x2c: {  	s7 =	sld [smem:$0x3FB5]  }
0x2d: {  	s3 =	simm.s32 $0x108;
	s8 =	sld [smem:$0x3FB6]  }
0x2e: {  	s3 =	simm.s32 @!p0 $0x1082;
	s9 =	sld [smem:$0x3FB7]  }
0x2f: {  	lr =	sadd.s32 s0, s3;
	s0 =	sld [smem:$0x3FAE]  }
0x30: {  	s3 =	sld [smem:$0x3FB1]  }
0x31: {  	[smem:$0x3FBA] =	sst s10  }
0x32: {  	s10 =	sld [smem:$0x3FB8];
	_ =	sdelay $0x3  }
0x33: {  	p0 =	seq.s32 s10, $0x1;
	s10 =	sld [smem:$0x3FBA];
	_ =	sdelay $0x3  }
0x34: {  	[smem:$0x3FBA] =	sst s10  }
0x35: {  	s10 =	sld [smem:$0x3FB9];
	_ =	sdelay $0x3  }
0x36: {  	p1 =	seq.s32 s10, $0x1;
	s10 =	sld [smem:$0x3FBA];
	_ =	sdelay $0x3  }
0x37: {  	[smem:$0x3FBA] =	sst s10  }
0x38: {  	s10 =	sld [smem:$0x3FBB]  }
0x39: {  	_ = 	snop;
	(pc) =	sbr.ind lr, $3  }
0x3a: {  	_ = 	snop  }
0x3b: {  	_ = 	snop  }
0x3c: {  	p2 =	seq.s32 s10, $0x1;
	s10 =	sld [smem:$0x3FBA]  }
0x3d: {  	_ =	shalt  }
0x3e: {  	_ =	shalt  }
0x3f: {  	_ =	shalt  }
0x40: {  	_ =	shalt  }
0x41: {  	_ =	shalt  }
0x42: {  	_ =	shalt  }
0x43: {  	_ =	shalt  }
0x44: {  	_ =	shalt  }
0x45: {  	_ =	shalt  }
0x46: {  	_ =	shalt  }
0x47: {  	_ =	shalt  }
0x48: {  	_ =	shalt  }
0x49: {  	_ =	shalt  }
0x4a: {  	_ =	shalt  }
0x4b: {  	_ =	shalt  }
0x4c: {  	_ =	shalt  }
0x4d: {  	_ =	shalt  }
0x4e: {  	_ =	shalt  }
0x4f: {  	_ =	shalt  }
0x50: {  	_ =	shalt  }
0x51: {  	_ =	shalt  }
0x52: {  	_ =	shalt  }
0x53: {  	_ =	shalt  }
0x54: {  	_ =	shalt  }
0x55: {  	_ =	shalt  }
0x56: {  	_ =	shalt  }
0x57: {  	_ =	shalt  }
0x58: {  	_ =	shalt  }
0x59: {  	_ =	shalt  }
0x5a: {  	_ =	shalt  }
0x5b: {  	_ =	shalt  }
0x5c: {  	_ =	shalt  }
0x5d: {  	_ =	shalt  }
0x5e: {  	_ =	shalt  }
0x5f: {  	_ =	shalt  }
0x60: {  	_ =	shalt  }
0x61: {  	_ =	shalt  }
0x62: {  	_ =	shalt  }
0x63: {  	_ =	shalt  }
0x64: {  	_ =	shalt  }
0x65: {  	_ =	shalt  }
0x66: {  	_ =	shalt  }
0x67: {  	_ =	shalt  }
0x68: {  	_ =	shalt  }
0x69: {  	_ =	shalt  }
0x6a: {  	_ =	shalt  }
0x6b: {  	_ =	shalt  }
0x6c: {  	_ =	shalt  }
0x6d: {  	_ =	shalt  }
0x6e: {  	_ =	shalt  }
0x6f: {  	_ =	shalt  }
0x70: {  	_ =	shalt  }
0x71: {  	_ =	shalt  }
0x72: {  	_ =	shalt  }
0x73: {  	_ =	shalt  }
0x74: {  	_ =	shalt  }
0x75: {  	_ =	shalt  }
0x76: {  	_ =	shalt  }
0x77: {  	_ =	shalt  }
0x78: {  	_ =	shalt  }
0x79: {  	_ =	shalt  }
0x7a: {  	_ =	shalt  }
0x7b: {  	_ =	shalt  }
0x7c: {  	_ =	shalt  }
0x7d: {  	_ =	shalt  }
0x7e: {  	_ =	shalt  }
0x7f: {  	_ =	shalt  }
0x80: {  	_ =	shalt  }
0x81: {  	_ =	shalt  }
0x82: {  	_ =	shalt  }
0x83: {  	_ =	shalt  }
0x84: {  	_ =	shalt  }
0x85: {  	_ =	shalt  }
0x86: {  	_ =	shalt  }
0x87: {  	_ =	shalt  }
.Lfunc_end0:
.L_simem_size_0:
called_computation_lowered:
.L_overlay_start_0:
0x88: {  	s2 =	sld [smem:$0x3FD9]  }
0x89: {  	s3 =	sld [smem:$0x3FFE];
	_ =	sdelay $0x1  }
0x8a: {  	s1 =	srdreg.scid  }
0x8b: {  	s0 =	sand.u32 $0x1, s1  }
0x8c: {  	s17 =	sshll.u32 s0, $0xA;
	s2 =	sadd.s32 s3, s2  }
0x8d: {  	s2 =	sadd.s32 s2, s17  }
0x8e: {  	[smem:$0x3FC6] =	sst s2  }
0x8f: {  	_ = 	snop  }
0x90: {  	s2 =	sld [smem:$0x3FC9];
	(tm) =	ssettm $0x1  }
0x91: {  	s18 =	sld [smem:$0x3FFB];
	_ =	sdelay $0x3  }
0x92: {  	_ =	strace s18  }
0x93: {  	s3 =	sld [smem:$0x3FFC];
	_ =	sdelay $0x3  }
0x94: {  	_ =	strace s3  }
0x95: {  	s3 =	sld [smem:$0x3FFD];
	_ =	sdelay $0x3  }
0x96: {  	_ =	strace s3  }
0x97: {  	_ =	strace $0x8FFFFFFF  }
0x98: {  	s19 =	sld [smem:$0x3FDB];
	_ =	sdelay $0x1  }
0x99: {  	s4 =	simm.s32 $_scs_section_size  }
0x9a: {  	s5 =	simm.s32 $_size__tile_overlayer_lowered;
	s6 =	simm.s32 $_tile_overlayer_lowered  }
0x9b: {  	s22 =	simm.s32 $0x1BFF;
	s21 =	sshll.u32 s6, $0x1;
	s3 =	sadd.s32 s4, s19  }
0x9c: {  	s7 =	simm.s32 $0x0;
	s20 =	sshll.u32 s5, $0x1;
	s5 =	sadd.s32 s21, s3  }
0x9d: {  	[timem:s7], [sflag:s22] =	dma.local [hbm:s5], s20  }
0x9e: {  	_ =	swait.ge [sflag:s22], s20  }
0x9f: {  	s4 =	ssub.s32 $0x0, s20;
	[sflag:s22] =	ssyncset.done $0x0  }
0xa0: {  	[sflag:s22] =	ssyncadd.s32 s4;
	_ =	sdelay $0x1  }
0xa1: {  	s23 =	simm.s32 $0x1B8B  }
0xa2: {  	_ =	swait.ge [sflag:s23], $0x1  }
0xa3: {  	[sflag:s23] =	ssyncset.done $0x0  }
0xa4: {  	s25 =	simm.s32 $0x1B8E;
	s24 =	sld [smem:$0x3FFE];
	[sflag:s23] =	ssyncadd.s32 $0xFFFFFFFF  }
0xa5: {  	s26 =	simm.s32 $execute0_lowered;
	[smem:$0x3FD2] =	sst s25  }
0xa6: {  	s5 =	sshll.u32 s26, $0x1;
	_ =	strace $0x80000046;
	[dreg:$0x1] =	wrdreg $0xFFFFFFFF  }
0xa7: {  	s28 =	simm.s32 $_size_execute0_lowered;
	s3 =	sadd.s32 s3, s5;
	[dreg:$0x0] =	wrdreg $0x0  }
0xa8: {  	s5 =	sshll.u32 s28, $0x1;
	[dreg:$0x2] =	wrdreg s3  }
0xa9: {  	[dreg:$0x3] =	wrdreg s5  }
0xaa: {  	[dreg:$0x4] =	wrdreg $0xC0  }
0xab: {  	_ =	task [dreg:s7], $0x5FFFF  }
0xac: {  	[dreg:$0x1] =	wrdreg $0xFFFFFFFF  }
0xad: {  	[dreg:$0x0] =	wrdreg $0x60  }
0xae: {  	[dreg:$0x2] =	wrdreg s2  }
0xaf: {  	[dreg:$0x3] =	wrdreg s24  }
0xb0: {  	[dreg:$0x4] =	wrdreg $0x9  }
0xb1: {  	_ =	task.clear_ibuf [dreg:s7], $0x5FFFF;
	_ =	strace $0x90000046  }
0xb2: {  	s29 =	simm.s32 $0x9;
	_ =	strace $0x80000048  }
0xb3: {  	_ =	swait.ge [sflag:s29], $0x1  }
0xb4: {  	[sflag:s29] =	ssyncadd.s32 $0xFFFFFFFF  }
0xb5: {  	_ =	strace $0x90000048  }
0xb6: {  	_ =	sfence  }
0xb7: {  	s30 =	sld [smem:$0x0];
	_ =	sdelay $0x2  }
0xb8: {  	s31 =	sshll.u32 s1, $0xD;
	s1 =	sshrl.u32 s1, $0x2  }
0xb9: {  	s3 =	sand.u32 $0x4000, s31;
	s1 =	sadd.s32 s1, s30  }
0xba: {  	s0 =	sor.u32 s3, s0;
	s1 =	sshll.u32 s1, $0x11  }
0xbb: {  	s0 =	sor.u32 s1, s0  }
0xbc: {  	s0 =	sadd.s32 $0x8F2B, s0  }
0xbd: {  	[sflag:s0] =	ssyncadd.remote.s32 $0x1  }
0xbe: {  	_ =	sfence.sel $0xFFFF  }
0xbf: {  	[dreg:$0x0] =	wrdreg $0xFFFFFFFF;
	(pc) =	sbr.abs _section_cstart, $3  }
0xc0: {  	[dreg:$0x1] =	wrdreg $0xFFFFFFFF  }
0xc1: {  	_ =	task.clear_ibuf [dreg:s7], $0x2FFFF;
	_ =	strace $0x9FFFFFFF  }
0xc2: {  	(tm) =	ssettm $0x7FFFFFFF  }
0xc3: {  	_ =	shalt  }
tec
execute0_lowered:
.L_overlay_start_1:
0x0: {  	(tag) =	ssettag $0x1  }
0x1: {  	s3 =	rddreg [dreg:$0x0]  }
0x2: {  	s4 =	rddreg [dreg:$0x1]  }
0x3: {  	s0 =	rddreg [dreg:$0x2];
	s2 =	simm.s32 $0x0  }
0x4: {  	s1 =	stileid.u32;
	s5 =	srdreg.scid;
	s9 =	simm.s32 $0x400  }
0x5: {  	s10 =	simm.s32 $0x2000;
	s11 =	simm.s32 $0x2;
	s12 =	simm.s32 $0x0  }
0x6: {  	[smem:$0x7FF] =	sst s2;
	s6 =	sshll.u32 s1, $0x6;
	s5 =	sand.u32 $0x1, s5  }
0x7: {  	s7 =	sshll.u32 s1, $0x1;
	_ =	strace $0x80000047;
	s6 =	sand.u32 $0x300, s6  }
0x8: {  	s7 =	sor.u32 s5, s7;
	s5 =	ssub.s32 $0x2, s5;
	s4 =	sadd.s32 s6, s4  }
0x9: {  	s31 =	sshll.u32 s7, $0x4;
	s8 =	sshrl.u32 s5, $0x1;
	s7 =	sshll.u32 s7, $0x9  }
0xa: {  	s6 =	sand.u32 $0x70, s31;
	s5 =	ssub.s32 s5, s8;
	s3 =	sadd.s32 s3, s7  }
0xb: {  	v1 =	vlaneseq.u32;
	s7 =	simm.s32 $0x1000;
	s8 =	simm.s32 $0x80;
	s4 =	sadd.s32 s6, s4  }
0xc: {  	v0 =	vimm.f32 $0.0e+00;
	v2 =	vimm.f32 $1.000000000e+00;
	v1 =	vmul.u32 $0x100, v1;
	s5 =	smax.u32 s5, $0x1;
	s6 =	simm.s32 $0x1;
	s4 =	sadd.s32 $0x800, s4  }
.LBB2_1:
0xd: {  	[tilespmem:s2], [sflag:$0x1] =	stream.linear.gather [hbm4b:s3+s2], $0x1000, $0x38;
	[tilespmem:$0x2100] =	vst v63  }
0xe: {  	s13 =	simm.s32 $0x1040  }
0xf: {  	[tilespmem:s13+$0xFFFFFFC0] =	vst v0  }
0x10: {  	[tilespmem:s13+$0x30] =	vst v0  }
0x11: {  	[tilespmem:s13+$0x20] =	vst v0  }
0x12: {  	[tilespmem:s13+$0x10] =	vst v0  }
0x13: {  	[tilespmem:s13+$0x0] =	vst v0  }
0x14: {  	[tilespmem:s13+$0xFFFFFFF0] =	vst v0  }
0x15: {  	s14 =	simm.s32 $0x0;
	[tilespmem:s13+$0xFFFFFFE0] =	vst v0  }
.LBB2_2:
0x16: {  	s14 =	sadd.s32 $0x80, s14;
	[tilespmem:s13+$0xFFFFFFD0] =	vst v0;
	s13 =	sadd.s32 $0x80, s13  }
0x17: {  	[tilespmem:s13+$0xFFFFFFC0] =	vst v0;
	p0 =	slt.u32 s14, $0xF80  }
0x18: {  	[tilespmem:s13+$0x30] =	vst v0  }
.Ltmp0:
0x19: {  	[tilespmem:s13+$0x20] =	vst v0;
	(pc) =	sbr.rel @p0 .LBB2_2-.Ltmp0, $4  }
0x1a: {  	[tilespmem:s13+$0x10] =	vst v0  }
0x1b: {  	[tilespmem:s13+$0x0] =	vst v0  }
0x1c: {  	[tilespmem:s13+$0xFFFFFFF0] =	vst v0  }
0x1d: {  	[tilespmem:s13+$0xFFFFFFE0] =	vst v0  }
0x1e: {  	[tilespmem:s13+$0xFFFFFFD0] =	vst v0  }
0x1f: {  	_ =	swait.ge [sflag:s6], $0x1000  }
0x20: {  	[sflag:s6] =	ssyncset.done $0x0  }
0x21: {  	s31 =	simm.s32 $0x40;
	[sflag:s6] =	ssyncadd.s32 $0xFFFFF000  }
0x22: {  	v3 =	vld [tilespmem:s31+$0x30]  }
0x23: {  	v4 =	vld [tilespmem:s31+$0xFFFFFFD0]  }
0x24: {  	v5 =	vld [tilespmem:s31+$0xFFFFFFE0]  }
0x25: {  	v6 =	vld [tilespmem:s31+$0xFFFFFFF0]  }
0x26: {  	v7 =	vld [tilespmem:s31+$0x0]  }
0x27: {  	v8 =	vld [tilespmem:s31+$0x10];
	v3 =	vadd.s32 v1, v3  }
0x28: {  	v4 =	vadd.s32 v1, v4  }
0x29: {  	v5 =	vadd.s32 v1, v5  }
0x2a: {  	v9 =	vld [tilespmem:s31+$0x20];
	v6 =	vadd.s32 v1, v6  }
0x2b: {  	v10 =	vld [tilespmem:s31+$0xFFFFFFC0];
	v7 =	vadd.s32 v1, v7  }
0x2c: {  	v8 =	vadd.s32 v1, v8;
	[tilespmem:v3+s7+$0x0] =	vst.idx.add.f32.msk $0xffff, v2  }
0x2d: {  	[tilespmem:v4+s7+$0x0] =	vst.idx.add.f32.msk $0xffff, v2  }
0x2e: {  	[tilespmem:v5+s7+$0x0] =	vst.idx.add.f32.msk $0xffff, v2  }
0x2f: {  	[tilespmem:v6+s7+$0x0] =	vst.idx.add.f32.msk $0xffff, v2  }
0x30: {  	s15 =	simm.s32 $0x0;
	[tilespmem:v7+s7+$0x0] =	vst.idx.add.f32.msk $0xffff, v2  }
0x31: {  	s14 =	simm.s32 $0x1810;
	s13 =	simm.s32 $0x2020;
	s16 =	simm.s32 $0xC0;
	v3 =	vadd.s32 v1, v9;
	v4 =	vadd.s32 v1, v10;
	[tilespmem:v8+s7+$0x0] =	vst.idx.add.f32.msk $0xffff, v2  }
.LBB2_4:
0x32: {  	v5 =	vld [tilespmem:s16+$0x30];
	s15 =	sadd.s32 $0x80, s15  }
0x33: {  	v6 =	vld [tilespmem:s16+$0xFFFFFFD0];
	p0 =	slt.u32 s15, $0xF80  }
0x34: {  	v7 =	vld [tilespmem:s16+$0xFFFFFFE0]  }
0x35: {  	v8 =	vld [tilespmem:s16+$0xFFFFFFF0]  }
0x36: {  	v9 =	vld [tilespmem:s16+$0x0]  }
0x37: {  	v10 =	vld [tilespmem:s16+$0x10];
	v5 =	vadd.s32 v1, v5  }
0x38: {  	v6 =	vadd.s32 v1, v6;
	v11 =	vld [tilespmem:s16+$0x20]  }
0x39: {  	v12 =	vld [tilespmem:s16+$0xFFFFFFC0];
	v7 =	vadd.s32 v1, v7  }
0x3a: {  	v8 =	vadd.s32 v1, v8;
	[tilespmem:v4+s7+$0x0] =	vst.idx.add.f32.msk $0xffff, v2  }
0x3b: {  	v9 =	vadd.s32 v1, v9;
	[tilespmem:v3+s7+$0x0] =	vst.idx.add.f32.msk $0xffff, v2  }
0x3c: {  	v10 =	vadd.s32 v1, v10;
	[tilespmem:v5+s7+$0x0] =	vst.idx.add.f32.msk $0xffff, v2  }
.Ltmp1:
0x3d: {  	[tilespmem:v6+s7+$0x0] =	vst.idx.add.f32.msk $0xffff, v2;
	v3 =	vadd.s32 v1, v11;
	(pc) =	sbr.rel @p0 .LBB2_4-.Ltmp1, $4  }
0x3e: {  	v4 =	vadd.s32 v1, v12;
	[tilespmem:v7+s7+$0x0] =	vst.idx.add.f32.msk $0xffff, v2  }
0x3f: {  	[tilespmem:v8+s7+$0x0] =	vst.idx.add.f32.msk $0xffff, v2  }
0x40: {  	[tilespmem:v9+s7+$0x0] =	vst.idx.add.f32.msk $0xffff, v2  }
0x41: {  	s16 =	sadd.s32 $0x80, s16;
	[tilespmem:v10+s7+$0x0] =	vst.idx.add.f32.msk $0xffff, v2  }
0x42: {  	_ =	sdelay $0x3  }
0x43: {  	[tilespmem:v4+s7+$0x0] =	vst.idx.add.f32.msk $0xffff, v2  }
0x44: {  	[tilespmem:v3+s7+$0x0] =	vst.idx.add.f32.msk $0xffff, v2  }
0x45: {  	v3 =	vld [tilespmem:s14+$0xFFFFF7F0]  }
0x46: {  	v5 =	vld [tilespmem:s14+$0xFFFFF800]  }
0x47: {  	v7 =	vld [tilespmem:s14+$0xFFFFF900]  }
0x48: {  	v9 =	vld [tilespmem:s14+$0xFFFFF810]  }
0x49: {  	v11 =	vld [tilespmem:s14+$0xFFFFF910]  }
0x4a: {  	v13 =	vld [tilespmem:s14+$0xFFFFF820]  }
0x4b: {  	v15 =	vld [tilespmem:s14+$0xFFFFF920]  }
0x4c: {  	v17 =	vld [tilespmem:s14+$0xFFFFFA00]  }
0x4d: {  	v19 =	vld [tilespmem:s14+$0xFFFFFA10]  }
0x4e: {  	v21 =	vld [tilespmem:s14+$0xFFFFFA20]  }
0x4f: {  	v23 =	vld [tilespmem:s14+$0xFFFFFB00]  }
0x50: {  	v25 =	vld [tilespmem:s14+$0xFFFFFB10]  }
0x51: {  	v27 =	vld [tilespmem:s14+$0xFFFFFB20]  }
0x52: {  	v29 =	vld [tilespmem:s14+$0xFFFFFC00]  }
0x53: {  	v31 =	vld [tilespmem:s14+$0xFFFFFC10]  }
0x54: {  	v33 =	vld [tilespmem:s14+$0xFFFFFC20]  }
0x55: {  	v34 =	vld [tilespmem:s14+$0xFFFFFD10]  }
0x56: {  	v35 =	vld [tilespmem:s14+$0xFFFFFE00]  }
0x57: {  	v36 =	vld [tilespmem:s14+$0xFFFFFE20]  }
0x58: {  	v52 =	vld [tilespmem:s14+$0xFFFFFF20]  }
0x59: {  	v53 =	vld [tilespmem:s14+$0x0]  }
0x5a: {  	v54 =	vld [tilespmem:s14+$0x10]  }
0x5b: {  	v55 =	vld [tilespmem:s14+$0x20]  }
0x5c: {  	v56 =	vld [tilespmem:s14+$0x100]  }
0x5d: {  	s15 =	simm.s32 $0x0;
	v57 =	vld [tilespmem:s14+$0x110]  }
0x5e: {  	s16 =	sand.u32 $0xC0, s15;
	v58 =	vld [tilespmem:s14+$0x210]  }
0x5f: {  	v4 =	vld [tilespmem:s16+$0x1100]  }
0x60: {  	v59 =	vld [tilespmem:s14+$0x320]  }
0x61: {  	v6 =	vld [tilespmem:s16+$0x1200]  }
0x62: {  	v60 =	vld [tilespmem:s14+$0x400]  }
0x63: {  	v8 =	vld [tilespmem:s16+$0x1300]  }
0x64: {  	v61 =	vld [tilespmem:s14+$0x410];
	v3 =	vadd.f32 v4, v3  }
0x65: {  	v10 =	vld [tilespmem:s16+$0x1400]  }
0x66: {  	v62 =	vld [tilespmem:s14+$0x510];
	v3 =	vadd.f32 v6, v3  }
0x67: {  	v12 =	vld [tilespmem:s16+$0x1500]  }
0x68: {  	v14 =	vld [tilespmem:s16+$0x1600];
	v3 =	vadd.f32 v8, v3  }
0x69: {  	v16 =	vld [tilespmem:s16+$0x1700]  }
0x6a: {  	v18 =	vld [tilespmem:s16+$0x1800];
	v5 =	vadd.f32 v7, v5;
	v3 =	vadd.f32 v10, v3  }
0x6b: {  	v20 =	vld [tilespmem:s16+$0x1900];
	v9 =	vadd.f32 v11, v9;
	v10 =	vadd.f32 v15, v13  }
0x6c: {  	v22 =	vld [tilespmem:s16+$0x1A00];
	v5 =	vadd.f32 v17, v5;
	v3 =	vadd.f32 v12, v3  }
0x6d: {  	v4 =	vld [tilespmem:s14+$0xFFFFFD00];
	v9 =	vadd.f32 v19, v9;
	v10 =	vadd.f32 v21, v10  }
0x6e: {  	v6 =	vld [tilespmem:s14+$0xFFFFFD20];
	v5 =	vadd.f32 v23, v5;
	v3 =	vadd.f32 v14, v3  }
0x6f: {  	v24 =	vld [tilespmem:s16+$0x1B00];
	v9 =	vadd.f32 v25, v9;
	v10 =	vadd.f32 v27, v10  }
0x70: {  	v8 =	vld [tilespmem:s14+$0xFFFFFE10];
	v5 =	vadd.f32 v29, v5;
	v3 =	vadd.f32 v16, v3  }
0x71: {  	v7 =	vld [tilespmem:s14+$0xFFFFFF00];
	v9 =	vadd.f32 v31, v9;
	v10 =	vadd.f32 v33, v10  }
0x72: {  	v11 =	vld [tilespmem:s14+$0xFFFFFF10];
	v4 =	vadd.f32 v4, v5;
	v3 =	vadd.f32 v18, v3  }
0x73: {  	v26 =	vld [tilespmem:s16+$0x1C00];
	v9 =	vadd.f32 v34, v9;
	v6 =	vadd.f32 v6, v10  }
0x74: {  	v28 =	vld [tilespmem:s16+$0x1D00];
	v4 =	vadd.f32 v35, v4;
	v3 =	vadd.f32 v20, v3  }
0x75: {  	v30 =	vld [tilespmem:s16+$0x1E00];
	v8 =	vadd.f32 v8, v9;
	v6 =	vadd.f32 v36, v6  }
0x76: {  	v5 =	vld [tilespmem:s14+$0x120];
	v4 =	vadd.f32 v7, v4;
	v3 =	vadd.f32 v22, v3  }
0x77: {  	v8 =	vadd.f32 v11, v8;
	v10 =	vld [tilespmem:s14+$0x200];
	v6 =	vadd.f32 v52, v6  }
0x78: {  	v9 =	vld [tilespmem:s14+$0x220];
	v4 =	vadd.f32 v53, v4;
	v3 =	vadd.f32 v24, v3  }
0x79: {  	v7 =	vld [tilespmem:s14+$0x300];
	v8 =	vadd.f32 v54, v8;
	v6 =	vadd.f32 v55, v6  }
0x7a: {  	v11 =	vld [tilespmem:s14+$0x310];
	v4 =	vadd.f32 v56, v4;
	v3 =	vadd.f32 v26, v3  }
0x7b: {  	v32 =	vld [tilespmem:s16+$0x1F00];
	v8 =	vadd.f32 v57, v8;
	v5 =	vadd.f32 v5, v6  }
0x7c: {  	v4 =	vadd.f32 v10, v4;
	v6 =	vld [tilespmem:s14+$0x420];
	v3 =	vadd.f32 v28, v3  }
0x7d: {  	v8 =	vadd.f32 v58, v8;
	v10 =	vld [tilespmem:s14+$0x500];
	v5 =	vadd.f32 v9, v5  }
0x7e: {  	v63 =	vld [tilespmem:s14+$0x520];
	v7 =	vadd.f32 v7, v4;
	v3 =	vadd.f32 v30, v3  }
0x7f: {  	v8 =	vadd.f32 v11, v8;
	v4 =	vld [tilespmem:s14+$0x600];
	v5 =	vadd.f32 v59, v5  }
0x80: {  	v7 =	vadd.f32 v60, v7;
	v11 =	vadd.f32 v32, v3;
	v3 =	vld [tilespmem:s14+$0x610]  }
0x81: {  	v8 =	vadd.f32 v61, v8;
	v12 =	vadd.f32 v6, v5;
	v5 =	vld [tilespmem:s14+$0x620]  }
0x82: {  	v9 =	vadd.f32 v10, v7;
	v6 =	vld [tilespmem:s14+$0x700]  }
0x83: {  	v8 =	vadd.f32 v62, v8;
	v7 =	vld [tilespmem:s14+$0x710];
	[tilespmem:s13+$0xFFFFFFE0] =	vst v11;
	v10 =	vadd.f32 v63, v12  }
.LBB2_6:
0x84: {  	s15 =	sadd.s32 $0x40, s15;
	v4 =	vadd.f32 v4, v9;
	v9 =	vld [tilespmem:s14+$0x720];
	s14 =	sadd.s32 $0x40, s14  }
0x85: {  	v11 =	vld [tilespmem:s14+$0xFFFFF7F0];
	s16 =	sand.u32 $0xC0, s15;
	p0 =	slt.u32 s15, $0xC0;
	v3 =	vadd.f32 v3, v8  }
0x86: {  	v8 =	vld [tilespmem:s16+$0x1100];
	v5 =	vadd.f32 v5, v10  }
0x87: {  	v10 =	vld [tilespmem:s14+$0xFFFFF800];
	v4 =	vadd.f32 v6, v4  }
0x88: {  	v6 =	vld [tilespmem:s16+$0x1200];
	v3 =	vadd.f32 v7, v3  }
0x89: {  	v7 =	vld [tilespmem:s14+$0xFFFFF900];
	[tilespmem:s13+$0xFFFFFFF0] =	vst v4;
	v4 =	vadd.f32 v9, v5  }
0x8a: {  	v5 =	vld [tilespmem:s16+$0x1300];
	[tilespmem:s13+$0x0] =	vst v3  }
0x8b: {  	v3 =	vadd.f32 v8, v11;
	v8 =	vld [tilespmem:s14+$0xFFFFF810];
	[tilespmem:s13+$0x10] =	vst v4  }
0x8c: {  	v4 =	vld [tilespmem:s16+$0x1400]  }
0x8d: {  	v3 =	vadd.f32 v6, v3;
	v6 =	vld [tilespmem:s14+$0xFFFFF910]  }
0x8e: {  	v9 =	vld [tilespmem:s16+$0x1500];
	v7 =	vadd.f32 v7, v10  }
0x8f: {  	v3 =	vadd.f32 v5, v3;
	v5 =	vld [tilespmem:s14+$0xFFFFF820]  }
0x90: {  	v10 =	vld [tilespmem:s16+$0x1600]  }
0x91: {  	v3 =	vadd.f32 v4, v3;
	v4 =	vld [tilespmem:s14+$0xFFFFF920]  }
0x92: {  	v11 =	vld [tilespmem:s16+$0x1700];
	v6 =	vadd.f32 v6, v8  }
0x93: {  	v3 =	vadd.f32 v9, v3;
	v8 =	vld [tilespmem:s14+$0xFFFFFA00]  }
0x94: {  	v9 =	vld [tilespmem:s16+$0x1800]  }
0x95: {  	v3 =	vadd.f32 v10, v3;
	v10 =	vld [tilespmem:s14+$0xFFFFFA10]  }
0x96: {  	v12 =	vld [tilespmem:s16+$0x1900];
	v4 =	vadd.f32 v4, v5  }
0x97: {  	v3 =	vadd.f32 v11, v3;
	v5 =	vld [tilespmem:s14+$0xFFFFFA20]  }
0x98: {  	v11 =	vld [tilespmem:s16+$0x1A00];
	v7 =	vadd.f32 v8, v7  }
0x99: {  	v3 =	vadd.f32 v9, v3;
	v8 =	vld [tilespmem:s14+$0xFFFFFB00]  }
0x9a: {  	v9 =	vld [tilespmem:s16+$0x1B00];
	v6 =	vadd.f32 v10, v6  }
0x9b: {  	v3 =	vadd.f32 v12, v3;
	v10 =	vld [tilespmem:s14+$0xFFFFFB10]  }
0x9c: {  	v12 =	vld [tilespmem:s16+$0x1C00];
	v4 =	vadd.f32 v5, v4  }
0x9d: {  	v3 =	vadd.f32 v11, v3;
	v5 =	vld [tilespmem:s14+$0xFFFFFB20]  }
0x9e: {  	v11 =	vld [tilespmem:s16+$0x1D00];
	v7 =	vadd.f32 v8, v7  }
0x9f: {  	v3 =	vadd.f32 v9, v3;
	v8 =	vld [tilespmem:s14+$0xFFFFFC00]  }
0xa0: {  	v9 =	vld [tilespmem:s16+$0x1E00];
	v6 =	vadd.f32 v10, v6  }
0xa1: {  	v3 =	vadd.f32 v12, v3;
	v10 =	vld [tilespmem:s14+$0xFFFFFC10]  }
0xa2: {  	v12 =	vld [tilespmem:s16+$0x1F00];
	v4 =	vadd.f32 v5, v4  }
0xa3: {  	v3 =	vadd.f32 v11, v3;
	v5 =	vld [tilespmem:s14+$0xFFFFFC20]  }
0xa4: {  	v7 =	vadd.f32 v8, v7;
	v8 =	vld [tilespmem:s14+$0xFFFFFD00]  }
0xa5: {  	v3 =	vadd.f32 v9, v3;
	v9 =	vld [tilespmem:s14+$0xFFFFFD10]  }
0xa6: {  	v6 =	vadd.f32 v10, v6;
	v10 =	vld [tilespmem:s14+$0xFFFFFD20]  }
0xa7: {  	v3 =	vadd.f32 v12, v3;
	v11 =	vld [tilespmem:s14+$0xFFFFFE00]  }
0xa8: {  	s13 =	sadd.s32 $0x40, s13;
	v12 =	vld [tilespmem:s14+$0xFFFFFE10];
	v4 =	vadd.f32 v5, v4  }
0xa9: {  	[tilespmem:s13+$0xFFFFFFE0] =	vst v3;
	v3 =	vadd.f32 v8, v7;
	v5 =	vld [tilespmem:s14+$0xFFFFFE20]  }
0xaa: {  	v7 =	vld [tilespmem:s14+$0xFFFFFF00];
	v6 =	vadd.f32 v9, v6  }
0xab: {  	v8 =	vld [tilespmem:s14+$0xFFFFFF10];
	v4 =	vadd.f32 v10, v4  }
0xac: {  	v3 =	vadd.f32 v11, v3;
	v9 =	vld [tilespmem:s14+$0xFFFFFF20]  }
0xad: {  	v10 =	vld [tilespmem:s14+$0x0];
	v6 =	vadd.f32 v12, v6  }
0xae: {  	v11 =	vld [tilespmem:s14+$0x10];
	v4 =	vadd.f32 v5, v4  }
0xaf: {  	v3 =	vadd.f32 v7, v3;
	v5 =	vld [tilespmem:s14+$0x20]  }
0xb0: {  	v7 =	vld [tilespmem:s14+$0x100];
	v6 =	vadd.f32 v8, v6  }
0xb1: {  	v8 =	vld [tilespmem:s14+$0x110];
	v4 =	vadd.f32 v9, v4  }
0xb2: {  	v3 =	vadd.f32 v10, v3;
	v9 =	vld [tilespmem:s14+$0x120]  }
0xb3: {  	v10 =	vld [tilespmem:s14+$0x200];
	v6 =	vadd.f32 v11, v6  }
0xb4: {  	v11 =	vld [tilespmem:s14+$0x210];
	v4 =	vadd.f32 v5, v4  }
0xb5: {  	v3 =	vadd.f32 v7, v3;
	v5 =	vld [tilespmem:s14+$0x220]  }
0xb6: {  	v7 =	vld [tilespmem:s14+$0x300];
	v6 =	vadd.f32 v8, v6  }
0xb7: {  	v8 =	vld [tilespmem:s14+$0x310];
	v4 =	vadd.f32 v9, v4  }
0xb8: {  	v3 =	vadd.f32 v10, v3;
	v9 =	vld [tilespmem:s14+$0x320]  }
0xb9: {  	v10 =	vld [tilespmem:s14+$0x400];
	v6 =	vadd.f32 v11, v6  }
0xba: {  	v11 =	vld [tilespmem:s14+$0x410];
	v4 =	vadd.f32 v5, v4  }
0xbb: {  	v3 =	vadd.f32 v7, v3;
	v5 =	vld [tilespmem:s14+$0x420]  }
0xbc: {  	v7 =	vld [tilespmem:s14+$0x500];
	v6 =	vadd.f32 v8, v6  }
0xbd: {  	v8 =	vld [tilespmem:s14+$0x510];
	v9 =	vadd.f32 v9, v4  }
0xbe: {  	v10 =	vadd.f32 v10, v3;
	v12 =	vld [tilespmem:s14+$0x520]  }
.Ltmp2:
0xbf: {  	v4 =	vld [tilespmem:s14+$0x600];
	v11 =	vadd.f32 v11, v6;
	(pc) =	sbr.rel @p0 .LBB2_6-.Ltmp2, $4  }
0xc0: {  	v3 =	vld [tilespmem:s14+$0x610];
	v13 =	vadd.f32 v5, v9  }
0xc1: {  	v9 =	vadd.f32 v7, v10;
	v5 =	vld [tilespmem:s14+$0x620]  }
0xc2: {  	v6 =	vld [tilespmem:s14+$0x700];
	v8 =	vadd.f32 v8, v11  }
0xc3: {  	v7 =	vld [tilespmem:s14+$0x710];
	v10 =	vadd.f32 v12, v13  }
0xc4: {  	v11 =	vld [tilespmem:s14+$0x720]  }
0xc5: {  	v4 =	vadd.f32 v4, v9  }
0xc6: {  	v3 =	vadd.f32 v3, v8  }
0xc7: {  	v5 =	vadd.f32 v5, v10;
	v4 =	vadd.f32 v6, v4  }
0xc8: {  	v3 =	vadd.f32 v7, v3  }
0xc9: {  	s12 =	sadd.s32 $0x1, s12;
	[tilespmem:s13+$0xFFFFFFF0] =	vst v4;
	v63 =	vadd.f32 v11, v5  }
0xca: {  	p0 =	sne.s32 s12, s5;
	[tilespmem:s13+$0x0] =	vst v3  }
.Ltmp3:
0xcb: {  	[tilespmem:s13+$0x10] =	vst v63;
	(pc) =	sbr.rel @p0 .LBB2_1-.Ltmp3, $4  }
0xcc: {  	[hbm4b:s4+s8] =	stream.strided.scatter [tilespmem:s10], [sflag:$0x2], $0x100, s9, s8, $0x38;
	[tilespmem:$0x2100] =	vst v63  }
0xcd: {  	_ =	swait.ge [sflag:s11], $0x100  }
0xce: {  	[sflag:s11] =	ssyncset.done $0x0  }
0xcf: {  	[sflag:s11] =	ssyncadd.s32 $0xFFFFFF00  }
0xd0: {  	_ =	sfence.sel $0x180000  }
0xd1: {  	[bflag:$0x0] =	sbarrier.arrive $0xFFFF  }
0xd2: {  	p0 =	sne.s32 s1, $0x0;
	_ =	strace $0x90000047  }
0xd3: {  	s0 =	sadd.s32 @!p0 $0x100000, s0;
	[bflag:$0x2] =	sbarrier.arrive $0xFFFF  }
0xd4: {  	[sflag:s0] =	ssyncadd.tile.s32 @!p0 $0x1;
	_ =	shalt  }
.Lfunc_end2:
_tile_overlayer_lowered:
.L_overlay_start_2:
0xd5: {  	(tag) =	ssettag $0x2  }
0xd6: {  	s0 =	rddreg [dreg:$0x0];
	s2 =	stileid.u32  }
0xd7: {  	s1 =	rddreg [dreg:$0x1];
	p0 =	sne.s32 s2, $0x0  }
0xd8: {  	s3 =	rddreg [dreg:$0x2];
	[bflag:$0x3] =	sbarrier.arrive $0xFFFF;
	s2 =	simm.s32 @!p0 $0x1C02  }
0xd9: {  	[timem:s3], [sflag:s2] =	dma.local @!p0 [hbm:s0], s1  }
0xda: {  	s0 =	simm.s32 @!p0 $0x2  }
0xdb: {  	_ =	swait.ge @!p0 [sflag:s0], s1  }
0xdc: {  	s1 =	ssub.s32 @!p0 $0x0, s1;
	[sflag:s0] =	ssyncset.done @!p0 $0x0  }
0xdd: {  	[sflag:s0] =	ssyncadd.s32 @!p0 s1  }
0xde: {  	[bflag:$0x3] =	sbarrier.arrive $0xFFFF  }
0xdf: {  	_ =	shalt  }

</sc_bundles>
